<compile_context>
chip_gen: v7x
topology: tpu7x:2x2x1
jax: 0.10.2.dev20260603
libtpu: 0.0.44.dev20260713+nightly
codegen_flags: <defaults>
</compile_context>

<pallas_src>
import functools

import jax
import jax.numpy as jnp
from jax import lax
from jax.experimental import pallas as pl
from jax.experimental.pallas import tpu as pltpu
from jax.experimental.pallas import tpu_sc as plsc

N = 10000
E = 320000
D = 128

NS = 16
EPT = E // NS
K = 80
NCHUNK = EPT // K
IB = 50
NBLK = NCHUNK // IB
NPAD = 10240
RPT = NPAD // NS

BM = 400
GRID = N // BM


def _mm_body(h_ref, w_ref, ws_ref, wt_ref, b_ref, bs_ref, bt_ref,
             y_ref, hs_ref, yt_ref):
    h = h_ref[...]
    dn = (((1,), (1,)), ((), ()))
    y_ref[...] = lax.dot_general(h, w_ref[...], dn,
                                 preferred_element_type=jnp.float32) + b_ref[...]
    hs_ref[...] = lax.dot_general(h, ws_ref[...], dn,
                                  preferred_element_type=jnp.float32) + bs_ref[...]
    yt_ref[...] = lax.dot_general(h, wt_ref[...], dn,
                                  preferred_element_type=jnp.float32) + bt_ref[...]


def _matmuls(h_n, W_w, W_b, Wself_w, Wself_b, Wtrans_w, Wtrans_b):
    mspec = pl.BlockSpec((BM, D), lambda i: (i, 0))
    wspec = pl.BlockSpec((D, D), lambda i: (0, 0))
    bspec = pl.BlockSpec((1, D), lambda i: (0, 0))
    out_sds = jax.ShapeDtypeStruct((N, D), jnp.float32)
    return pl.pallas_call(
        _mm_body,
        grid=(GRID,),
        in_specs=[mspec, wspec, wspec, wspec, bspec, bspec, bspec],
        out_specs=[mspec, mspec, mspec],
        out_shape=[out_sds, out_sds, out_sds],
    )(h_n, W_w, Wself_w, Wtrans_w, W_b.reshape(1, D), Wself_b.reshape(1, D),
      Wtrans_b.reshape(1, D))


def _agg_body(y_hbm, yt_hbm, zero_hbm, srcA, dstA, srcB, dstB,
              outA, outB, src_v, dst_v, rows_v, acc_sh, sem):
    c = lax.axis_index("c")
    s = lax.axis_index("s")
    row0 = pl.multiple_of(s * RPT, 8)

    pltpu.sync_copy(zero_hbm, acc_sh.at[pl.ds(row0, RPT)])
    plsc.subcore_barrier()

    def _direction(data_hbm, src_hbm, dst_hbm):
        def blk(b, carry):
            pltpu.sync_copy(src_hbm.at[s].at[b], src_v)
            pltpu.sync_copy(dst_hbm.at[s].at[b], dst_v)

            def body(j, carry2):
                pltpu.async_copy(data_hbm.at[src_v.at[j]], rows_v, sem).wait()
                pltpu.sync_copy(rows_v, acc_sh.at[dst_v.at[j]], add=True)
                return carry2
            return lax.fori_loop(0, IB, body, carry)
        lax.fori_loop(0, NBLK, blk, 0)

    @pl.when(c == 0)
    def _():
        _direction(y_hbm, srcA, dstA)

    @pl.when(c == 1)
    def _():
        _direction(yt_hbm, srcB, dstB)

    plsc.subcore_barrier()

    @pl.when(c == 0)
    def _():
        pltpu.sync_copy(acc_sh.at[pl.ds(row0, RPT)], outA.at[pl.ds(row0, RPT)])

    @pl.when(c == 1)
    def _():
        pltpu.sync_copy(acc_sh.at[pl.ds(row0, RPT)], outB.at[pl.ds(row0, RPT)])


def _aggregate(y, yt, zeros, srcA, dstA, srcB, dstB):
    mesh = plsc.VectorSubcoreMesh(core_axis_name="c", subcore_axis_name="s")
    out_sds = jax.ShapeDtypeStruct((NPAD, D), jnp.float32)
    kern = functools.partial(
        pl.kernel,
        mesh=mesh,
        out_type=[out_sds, out_sds],
        scratch_types=[
            pltpu.VMEM((IB, K), jnp.int32),
            pltpu.VMEM((IB, K), jnp.int32),
            pltpu.VMEM((K, D), jnp.float32),
            pltpu.VMEM_SHARED((NPAD, D), jnp.float32),
            pltpu.SemaphoreType.DMA,
        ],
    )(_agg_body)
    return kern(y, yt, zeros, srcA, dstA, srcB, dstB)


def _comb_body(a_ref, b_ref, hs_ref, o_ref):
    o_ref[...] = jnp.maximum(a_ref[...] + b_ref[...] + hs_ref[...], 0.0)


def _combine(a, b, hself):
    mspec = pl.BlockSpec((BM, D), lambda i: (i, 0))
    return pl.pallas_call(
        _comb_body,
        grid=(GRID,),
        in_specs=[mspec, mspec, mspec],
        out_specs=mspec,
        out_shape=jax.ShapeDtypeStruct((N, D), jnp.float32),
    )(a, b, hself)


def kernel(h_n, edge_index, W_w, W_b, Wself_w, Wself_b, Wtrans_w, Wtrans_b):
    row = edge_index[0].astype(jnp.int32)
    col = edge_index[1].astype(jnp.int32)
    srcA = col.reshape(NS, NBLK, IB, K)
    dstA = row.reshape(NS, NBLK, IB, K)
    srcB = row.reshape(NS, NBLK, IB, K)
    dstB = col.reshape(NS, NBLK, IB, K)
    zeros = jnp.zeros((RPT, D), jnp.float32)
    y, hself, yt = _matmuls(h_n, W_w, W_b, Wself_w, Wself_b, Wtrans_w, Wtrans_b)
    acc_a, acc_b = _aggregate(y, yt, zeros, srcA, dstA, srcB, dstB)
    return _combine(acc_a, acc_b, hself)

# --- scband reference (transcript-rebuilt; emitter-appended) ---
"""Pipeline reference for scband-mpnnlayer-55095840473648 (READ-ONLY COPY).

The authoritative reference and input builder live on the scoring server;
editing this copy changes nothing except your own understanding.
"""

import jax, jax.numpy as jnp
import numpy as np

N = 10000
E = 320000
D = 128

def setup_inputs(seed: int = 0) -> dict:
    key = jax.random.key(seed)
    k_h, k_e, k1, k2, k3 = jax.random.split(key, 5)
    h_n = jax.random.normal(k_h, (N, D), dtype=jnp.float32)
    edge_index = jax.random.randint(k_e, (2, E), 0, N, dtype=jnp.int64)
    scale = 1.0 / np.sqrt(D)
    W_w = jax.random.normal(k1, (D, D), dtype=jnp.float32) * scale
    W_b = jnp.zeros((D,), dtype=jnp.float32)
    Wself_w = jax.random.normal(k2, (D, D), dtype=jnp.float32) * scale
    Wself_b = jnp.zeros((D,), dtype=jnp.float32)
    Wtrans_w = jax.random.normal(k3, (D, D), dtype=jnp.float32) * scale
    Wtrans_b = jnp.zeros((D,), dtype=jnp.float32)
    return {"h_n": h_n, "edge_index": edge_index, "W_w": W_w, "W_b": W_b,
            "Wself_w": Wself_w, "Wself_b": Wself_b, "Wtrans_w": Wtrans_w, "Wtrans_b": Wtrans_b}

def reference(h_n, edge_index, W_w, W_b, Wself_w, Wself_b, Wtrans_w, Wtrans_b):
    # A is a sparse {0,1} adjacency with nnz at (row, col) = (edge_index[0], edge_index[1]).
    row = edge_index[0]
    col = edge_index[1]
    n = h_n.shape[0]
    # A @ W(h_n): out[row] += (W h)[col]
    y = h_n @ W_w.T + W_b
    agg = jax.ops.segment_sum(jnp.take(y, col, axis=0), row, num_segments=n)
    # A.T @ W_trans(h_n): out[col] += (W_trans h)[row]
    y_t = h_n @ Wtrans_w.T + Wtrans_b
    agg_t = jax.ops.segment_sum(jnp.take(y_t, row, axis=0), col, num_segments=n)
    h_self = h_n @ Wself_w.T + Wself_b
    h_out = agg + h_self + agg_t
    return jax.nn.relu(h_out)

if __name__ == "__main__":
    import jax
    _d = setup_inputs()
    print(jax.jit(kernel)(*tuple(_d.values())))

</pallas_src>

<mosaic_0001>
#map = affine_map<(d0, d1) -> (0, 0)>
#map1 = affine_map<(d0, d1) -> (0, 0, 0, 0)>
module attributes {stable_mosaic.version = 14 : i64} {
  func.func @_agg_body(%arg0: i32, %arg1: i32, %arg2: memref<10000x128xf32, #tpu.memory_space<hbm>>, %arg3: memref<10000x128xf32, #tpu.memory_space<hbm>>, %arg4: memref<640x128xf32, #tpu.memory_space<hbm>>, %arg5: memref<16x5x50x80xi32, #tpu.memory_space<hbm>>, %arg6: memref<16x5x50x80xi32, #tpu.memory_space<hbm>>, %arg7: memref<16x5x50x80xi32, #tpu.memory_space<hbm>>, %arg8: memref<16x5x50x80xi32, #tpu.memory_space<hbm>>, %arg9: memref<10240x128xf32, #tpu.memory_space<hbm>>, %arg10: memref<10240x128xf32, #tpu.memory_space<hbm>>, %arg11: memref<50x80xi32, #tpu.memory_space<vmem>>, %arg12: memref<50x80xi32, #tpu.memory_space<vmem>>, %arg13: memref<80x128xf32, #tpu.memory_space<vmem>>, %arg14: memref<10240x128xf32, #tpu.memory_space<vmem_shared>>, %arg15: memref<!tpu.dma_semaphore, #tpu.memory_space<semaphore_mem>>) attributes {dimension_semantics = [#tpu.dimension_semantics<core_parallel>, #tpu.dimension_semantics<subcore_parallel>], iteration_bounds = array<i64: 2, 16>, scalar_prefetch = 0 : i64, scratch_operands = 5 : i64, tpu.core_type = #tpu.core_type<sc_vector_subcore>, window_params = [{transform_indices = #map}, {transform_indices = #map}, {transform_indices = #map}, {transform_indices = #map1}, {transform_indices = #map1}, {transform_indices = #map1}, {transform_indices = #map1}, {transform_indices = #map}, {transform_indices = #map}]} {
    %mul3A = arith.constant 640 : i32
    %mul3A_0 = arith.muli %arg1, %mul3A : i32
    %multiple_of3A = tpu.assume_multiple %mul3A_0, 8 : i32
    "tpu.region"() ({
      %run_scoped3A = tpu.sem_alloc : memref<!tpu.dma_semaphore, #tpu.memory_space<semaphore_mem>>
      %dma_start3A = arith.constant 0 : i32
      %dma_start3A_19 = tpu.memref_slice %arg14[%multiple_of3A, %dma_start3A] : memref<10240x128xf32, #tpu.memory_space<vmem_shared>> -> memref<640x128xf32, #tpu.memory_space<vmem_shared>>
      tpu.enqueue_dma source(%arg4 : memref<640x128xf32, #tpu.memory_space<hbm>>) target(%dma_start3A_19 : memref<640x128xf32, #tpu.memory_space<vmem_shared>>) target_semaphore(%run_scoped3A : memref<!tpu.dma_semaphore, #tpu.memory_space<semaphore_mem>>)
      %dma_wait3A = arith.constant 0 : i32
      %dma_wait3A_20 = tpu.memref_slice %arg14[%multiple_of3A, %dma_wait3A] : memref<10240x128xf32, #tpu.memory_space<vmem_shared>> -> memref<640x128xf32, #tpu.memory_space<vmem_shared>>
      tpu.wait_dma2 semaphore(%run_scoped3A : memref<!tpu.dma_semaphore, #tpu.memory_space<semaphore_mem>>) src(%arg4 : memref<640x128xf32, #tpu.memory_space<hbm>>) dst(%dma_wait3A_20 : memref<640x128xf32, #tpu.memory_space<vmem_shared>>)
      tpu.yield
    }) : () -> ()
    %barrier3A = arith.constant 0 : index
    tpu.barrier barrier_id(%barrier3A)
    %eq3A = arith.constant 0 : i32
    %eq3A_1 = arith.cmpi eq, %arg0, %eq3A : i32
    %convert_element_type3A = arith.extui %eq3A_1 : i1 to i32
    %cond3A = arith.constant 0 : i32
    %cond3A_2 = arith.cmpi ne, %convert_element_type3A, %cond3A : i32
    scf.if %cond3A_2 {
      %scan3A = arith.constant 0 : i32
      %scan3A_19 = arith.constant 0 : i32
      %scan3A_20 = arith.constant 5 : i32
      %scan3A_21 = arith.addi %scan3A_19, %scan3A_20 : i32
      %scan3A_22 = arith.constant 1 : i32
      scf.for %scan3A_24 = %scan3A_19 to %scan3A_21 step %scan3A_22  : i32 {
        "tpu.region"() ({
          %run_scoped3A = tpu.sem_alloc : memref<!tpu.dma_semaphore, #tpu.memory_space<semaphore_mem>>
          %dma_start3A = arith.constant 0 : i32
          %dma_start3A_30 = arith.constant 0 : i32
          %dma_start3A_31 = arith.constant 0 : i32
          %dma_start3A_32 = tpu.memref_slice %arg5[%arg1, %dma_start3A, %dma_start3A_30, %dma_start3A_31] : memref<16x5x50x80xi32, #tpu.memory_space<hbm>> -> memref<1x5x50x80xi32, #tpu.memory_space<hbm>>
          %dma_start3A_33 = tpu.memref_squeeze %dma_start3A_32 : memref<1x5x50x80xi32, #tpu.memory_space<hbm>> -> memref<5x50x80xi32, #tpu.memory_space<hbm>>
          %dma_start3A_34 = arith.constant 0 : i32
          %dma_start3A_35 = arith.constant 0 : i32
          %dma_start3A_36 = tpu.memref_slice %dma_start3A_33[%scan3A_24, %dma_start3A_34, %dma_start3A_35] : memref<5x50x80xi32, #tpu.memory_space<hbm>> -> memref<1x50x80xi32, #tpu.memory_space<hbm>>
          %dma_start3A_37 = tpu.memref_squeeze %dma_start3A_36 : memref<1x50x80xi32, #tpu.memory_space<hbm>> -> memref<50x80xi32, #tpu.memory_space<hbm>>
          %dma_start3A_38 = arith.constant 0 : i32
          %dma_start3A_39 = arith.constant 0 : i32
          %dma_start3A_40 = arith.constant 0 : i32
          %dma_start3A_41 = tpu.memref_slice %arg5[%arg1, %dma_start3A_38, %dma_start3A_39, %dma_start3A_40] : memref<16x5x50x80xi32, #tpu.memory_space<hbm>> -> memref<1x5x50x80xi32, #tpu.memory_space<hbm>>
          %dma_start3A_42 = tpu.memref_squeeze %dma_start3A_41 : memref<1x5x50x80xi32, #tpu.memory_space<hbm>> -> memref<5x50x80xi32, #tpu.memory_space<hbm>>
          %dma_start3A_43 = arith.constant 0 : i32
          %dma_start3A_44 = arith.constant 0 : i32
          %dma_start3A_45 = tpu.memref_slice %dma_start3A_42[%scan3A_24, %dma_start3A_43, %dma_start3A_44] : memref<5x50x80xi32, #tpu.memory_space<hbm>> -> memref<1x50x80xi32, #tpu.memory_space<hbm>>
          %dma_start3A_46 = tpu.memref_squeeze %dma_start3A_45 : memref<1x50x80xi32, #tpu.memory_space<hbm>> -> memref<50x80xi32, #tpu.memory_space<hbm>>
          tpu.enqueue_dma source(%dma_start3A_46 : memref<50x80xi32, #tpu.memory_space<hbm>>) target(%arg11 : memref<50x80xi32, #tpu.memory_space<vmem>>) target_semaphore(%run_scoped3A : memref<!tpu.dma_semaphore, #tpu.memory_space<semaphore_mem>>)
          %dma_wait3A = arith.constant 0 : i32
          %dma_wait3A_47 = arith.constant 0 : i32
          %dma_wait3A_48 = arith.constant 0 : i32
          %dma_wait3A_49 = tpu.memref_slice %arg5[%arg1, %dma_wait3A, %dma_wait3A_47, %dma_wait3A_48] : memref<16x5x50x80xi32, #tpu.memory_space<hbm>> -> memref<1x5x50x80xi32, #tpu.memory_space<hbm>>
          %dma_wait3A_50 = tpu.memref_squeeze %dma_wait3A_49 : memref<1x5x50x80xi32, #tpu.memory_space<hbm>> -> memref<5x50x80xi32, #tpu.memory_space<hbm>>
          %dma_wait3A_51 = arith.constant 0 : i32
          %dma_wait3A_52 = arith.constant 0 : i32
          %dma_wait3A_53 = tpu.memref_slice %dma_wait3A_50[%scan3A_24, %dma_wait3A_51, %dma_wait3A_52] : memref<5x50x80xi32, #tpu.memory_space<hbm>> -> memref<1x50x80xi32, #tpu.memory_space<hbm>>
          %dma_wait3A_54 = tpu.memref_squeeze %dma_wait3A_53 : memref<1x50x80xi32, #tpu.memory_space<hbm>> -> memref<50x80xi32, #tpu.memory_space<hbm>>
          %dma_wait3A_55 = arith.constant 0 : i32
          %dma_wait3A_56 = arith.constant 0 : i32
          %dma_wait3A_57 = arith.constant 0 : i32
          %dma_wait3A_58 = tpu.memref_slice %arg5[%arg1, %dma_wait3A_55, %dma_wait3A_56, %dma_wait3A_57] : memref<16x5x50x80xi32, #tpu.memory_space<hbm>> -> memref<1x5x50x80xi32, #tpu.memory_space<hbm>>
          %dma_wait3A_59 = tpu.memref_squeeze %dma_wait3A_58 : memref<1x5x50x80xi32, #tpu.memory_space<hbm>> -> memref<5x50x80xi32, #tpu.memory_space<hbm>>
          %dma_wait3A_60 = arith.constant 0 : i32
          %dma_wait3A_61 = arith.constant 0 : i32
          %dma_wait3A_62 = tpu.memref_slice %dma_wait3A_59[%scan3A_24, %dma_wait3A_60, %dma_wait3A_61] : memref<5x50x80xi32, #tpu.memory_space<hbm>> -> memref<1x50x80xi32, #tpu.memory_space<hbm>>
          %dma_wait3A_63 = tpu.memref_squeeze %dma_wait3A_62 : memref<1x50x80xi32, #tpu.memory_space<hbm>> -> memref<50x80xi32, #tpu.memory_space<hbm>>
          tpu.wait_dma2 semaphore(%run_scoped3A : memref<!tpu.dma_semaphore, #tpu.memory_space<semaphore_mem>>) src(%dma_wait3A_63 : memref<50x80xi32, #tpu.memory_space<hbm>>) dst(%arg11 : memref<50x80xi32, #tpu.memory_space<vmem>>)
          tpu.yield
        }) : () -> ()
        "tpu.region"() ({
          %run_scoped3A = tpu.sem_alloc : memref<!tpu.dma_semaphore, #tpu.memory_space<semaphore_mem>>
          %dma_start3A = arith.constant 0 : i32
          %dma_start3A_30 = arith.constant 0 : i32
          %dma_start3A_31 = arith.constant 0 : i32
          %dma_start3A_32 = tpu.memref_slice %arg6[%arg1, %dma_start3A, %dma_start3A_30, %dma_start3A_31] : memref<16x5x50x80xi32, #tpu.memory_space<hbm>> -> memref<1x5x50x80xi32, #tpu.memory_space<hbm>>
          %dma_start3A_33 = tpu.memref_squeeze %dma_start3A_32 : memref<1x5x50x80xi32, #tpu.memory_space<hbm>> -> memref<5x50x80xi32, #tpu.memory_space<hbm>>
          %dma_start3A_34 = arith.constant 0 : i32
          %dma_start3A_35 = arith.constant 0 : i32
          %dma_start3A_36 = tpu.memref_slice %dma_start3A_33[%scan3A_24, %dma_start3A_34, %dma_start3A_35] : memref<5x50x80xi32, #tpu.memory_space<hbm>> -> memref<1x50x80xi32, #tpu.memory_space<hbm>>
          %dma_start3A_37 = tpu.memref_squeeze %dma_start3A_36 : memref<1x50x80xi32, #tpu.memory_space<hbm>> -> memref<50x80xi32, #tpu.memory_space<hbm>>
          %dma_start3A_38 = arith.constant 0 : i32
          %dma_start3A_39 = arith.constant 0 : i32
          %dma_start3A_40 = arith.constant 0 : i32
          %dma_start3A_41 = tpu.memref_slice %arg6[%arg1, %dma_start3A_38, %dma_start3A_39, %dma_start3A_40] : memref<16x5x50x80xi32, #tpu.memory_space<hbm>> -> memref<1x5x50x80xi32, #tpu.memory_space<hbm>>
          %dma_start3A_42 = tpu.memref_squeeze %dma_start3A_41 : memref<1x5x50x80xi32, #tpu.memory_space<hbm>> -> memref<5x50x80xi32, #tpu.memory_space<hbm>>
          %dma_start3A_43 = arith.constant 0 : i32
          %dma_start3A_44 = arith.constant 0 : i32
          %dma_start3A_45 = tpu.memref_slice %dma_start3A_42[%scan3A_24, %dma_start3A_43, %dma_start3A_44] : memref<5x50x80xi32, #tpu.memory_space<hbm>> -> memref<1x50x80xi32, #tpu.memory_space<hbm>>
          %dma_start3A_46 = tpu.memref_squeeze %dma_start3A_45 : memref<1x50x80xi32, #tpu.memory_space<hbm>> -> memref<50x80xi32, #tpu.memory_space<hbm>>
          tpu.enqueue_dma source(%dma_start3A_46 : memref<50x80xi32, #tpu.memory_space<hbm>>) target(%arg12 : memref<50x80xi32, #tpu.memory_space<vmem>>) target_semaphore(%run_scoped3A : memref<!tpu.dma_semaphore, #tpu.memory_space<semaphore_mem>>)
          %dma_wait3A = arith.constant 0 : i32
          %dma_wait3A_47 = arith.constant 0 : i32
          %dma_wait3A_48 = arith.constant 0 : i32
          %dma_wait3A_49 = tpu.memref_slice %arg6[%arg1, %dma_wait3A, %dma_wait3A_47, %dma_wait3A_48] : memref<16x5x50x80xi32, #tpu.memory_space<hbm>> -> memref<1x5x50x80xi32, #tpu.memory_space<hbm>>
          %dma_wait3A_50 = tpu.memref_squeeze %dma_wait3A_49 : memref<1x5x50x80xi32, #tpu.memory_space<hbm>> -> memref<5x50x80xi32, #tpu.memory_space<hbm>>
          %dma_wait3A_51 = arith.constant 0 : i32
          %dma_wait3A_52 = arith.constant 0 : i32
          %dma_wait3A_53 = tpu.memref_slice %dma_wait3A_50[%scan3A_24, %dma_wait3A_51, %dma_wait3A_52] : memref<5x50x80xi32, #tpu.memory_space<hbm>> -> memref<1x50x80xi32, #tpu.memory_space<hbm>>
          %dma_wait3A_54 = tpu.memref_squeeze %dma_wait3A_53 : memref<1x50x80xi32, #tpu.memory_space<hbm>> -> memref<50x80xi32, #tpu.memory_space<hbm>>
          %dma_wait3A_55 = arith.constant 0 : i32
          %dma_wait3A_56 = arith.constant 0 : i32
          %dma_wait3A_57 = arith.constant 0 : i32
          %dma_wait3A_58 = tpu.memref_slice %arg6[%arg1, %dma_wait3A_55, %dma_wait3A_56, %dma_wait3A_57] : memref<16x5x50x80xi32, #tpu.memory_space<hbm>> -> memref<1x5x50x80xi32, #tpu.memory_space<hbm>>
          %dma_wait3A_59 = tpu.memref_squeeze %dma_wait3A_58 : memref<1x5x50x80xi32, #tpu.memory_space<hbm>> -> memref<5x50x80xi32, #tpu.memory_space<hbm>>
          %dma_wait3A_60 = arith.constant 0 : i32
          %dma_wait3A_61 = arith.constant 0 : i32
          %dma_wait3A_62 = tpu.memref_slice %dma_wait3A_59[%scan3A_24, %dma_wait3A_60, %dma_wait3A_61] : memref<5x50x80xi32, #tpu.memory_space<hbm>> -> memref<1x50x80xi32, #tpu.memory_space<hbm>>
          %dma_wait3A_63 = tpu.memref_squeeze %dma_wait3A_62 : memref<1x50x80xi32, #tpu.memory_space<hbm>> -> memref<50x80xi32, #tpu.memory_space<hbm>>
          tpu.wait_dma2 semaphore(%run_scoped3A : memref<!tpu.dma_semaphore, #tpu.memory_space<semaphore_mem>>) src(%dma_wait3A_63 : memref<50x80xi32, #tpu.memory_space<hbm>>) dst(%arg12 : memref<50x80xi32, #tpu.memory_space<vmem>>)
          tpu.yield
        }) : () -> ()
        %scan3A_25 = arith.constant 0 : i32
        %scan3A_26 = arith.constant 50 : i32
        %scan3A_27 = arith.addi %scan3A_25, %scan3A_26 : i32
        %scan3A_28 = arith.constant 1 : i32
        scf.for %scan3A_30 = %scan3A_25 to %scan3A_27 step %scan3A_28  : i32 {
          %dma_start3A = arith.constant 0 : i32
          %dma_start3A_31 = tpu.memref_slice %arg11[%scan3A_30, %dma_start3A] : memref<50x80xi32, #tpu.memory_space<vmem>> -> memref<1x80xi32, #tpu.memory_space<vmem>>
          %dma_start3A_32 = tpu.memref_squeeze %dma_start3A_31 : memref<1x80xi32, #tpu.memory_space<vmem>> -> memref<80xi32, #tpu.memory_space<vmem>>
          %dma_start3A_33 = arith.constant 0 : i32
          %dma_start3A_34 = arith.constant 0 : i32
          %dma_start3A_35 = tpu.memref_slice %arg2[%dma_start3A_33, %dma_start3A_34] : memref<10000x128xf32, #tpu.memory_space<hbm>> -> memref<10000x128xf32, #tpu.memory_space<hbm>>
          tpu.enqueue_indirect_dma source(%dma_start3A_35 : memref<10000x128xf32, #tpu.memory_space<hbm>>) target(%arg13 : memref<80x128xf32, #tpu.memory_space<vmem>>) offsets(%dma_start3A_32 : memref<80xi32, #tpu.memory_space<vmem>>) semaphore(%arg15 : memref<!tpu.dma_semaphore, #tpu.memory_space<semaphore_mem>>)
          %dma_wait3A = arith.constant 0 : i32
          %dma_wait3A_36 = tpu.memref_slice %arg11[%scan3A_30, %dma_wait3A] : memref<50x80xi32, #tpu.memory_space<vmem>> -> memref<1x80xi32, #tpu.memory_space<vmem>>
          %dma_wait3A_37 = tpu.memref_squeeze %dma_wait3A_36 : memref<1x80xi32, #tpu.memory_space<vmem>> -> memref<80xi32, #tpu.memory_space<vmem>>
          %dma_wait3A_38 = arith.constant 0 : i32
          %dma_wait3A_39 = arith.constant 0 : i32
          %dma_wait3A_40 = tpu.memref_slice %arg2[%dma_wait3A_38, %dma_wait3A_39] : memref<10000x128xf32, #tpu.memory_space<hbm>> -> memref<10000x128xf32, #tpu.memory_space<hbm>>
          tpu.wait_indirect_dma semaphore(%arg15 : memref<!tpu.dma_semaphore, #tpu.memory_space<semaphore_mem>>) src(%dma_wait3A_40 : memref<10000x128xf32, #tpu.memory_space<hbm>>) dst(%arg13 : memref<80x128xf32, #tpu.memory_space<vmem>>)
          "tpu.region"() ({
            %run_scoped3A = tpu.sem_alloc : memref<!tpu.dma_semaphore, #tpu.memory_space<semaphore_mem>>
            %dma_start3A_41 = arith.constant 0 : i32
            %dma_start3A_42 = tpu.memref_slice %arg12[%scan3A_30, %dma_start3A_41] : memref<50x80xi32, #tpu.memory_space<vmem>> -> memref<1x80xi32, #tpu.memory_space<vmem>>
            %dma_start3A_43 = tpu.memref_squeeze %dma_start3A_42 : memref<1x80xi32, #tpu.memory_space<vmem>> -> memref<80xi32, #tpu.memory_space<vmem>>
            %dma_start3A_44 = arith.constant 0 : i32
            %dma_start3A_45 = arith.constant 0 : i32
            %dma_start3A_46 = tpu.memref_slice %arg14[%dma_start3A_44, %dma_start3A_45] : memref<10240x128xf32, #tpu.memory_space<vmem_shared>> -> memref<10240x128xf32, #tpu.memory_space<vmem_shared>>
            tpu.enqueue_indirect_dma source(%arg13 : memref<80x128xf32, #tpu.memory_space<vmem>>) target(%dma_start3A_46 : memref<10240x128xf32, #tpu.memory_space<vmem_shared>>) offsets(%dma_start3A_43 : memref<80xi32, #tpu.memory_space<vmem>>) semaphore(%run_scoped3A : memref<!tpu.dma_semaphore, #tpu.memory_space<semaphore_mem>>) {add = true}
            %dma_wait3A_47 = arith.constant 0 : i32
            %dma_wait3A_48 = tpu.memref_slice %arg12[%scan3A_30, %dma_wait3A_47] : memref<50x80xi32, #tpu.memory_space<vmem>> -> memref<1x80xi32, #tpu.memory_space<vmem>>
            %dma_wait3A_49 = tpu.memref_squeeze %dma_wait3A_48 : memref<1x80xi32, #tpu.memory_space<vmem>> -> memref<80xi32, #tpu.memory_space<vmem>>
            %dma_wait3A_50 = arith.constant 0 : i32
            %dma_wait3A_51 = arith.constant 0 : i32
            %dma_wait3A_52 = tpu.memref_slice %arg14[%dma_wait3A_50, %dma_wait3A_51] : memref<10240x128xf32, #tpu.memory_space<vmem_shared>> -> memref<10240x128xf32, #tpu.memory_space<vmem_shared>>
            tpu.wait_indirect_dma semaphore(%run_scoped3A : memref<!tpu.dma_semaphore, #tpu.memory_space<semaphore_mem>>) src(%arg13 : memref<80x128xf32, #tpu.memory_space<vmem>>) dst(%dma_wait3A_52 : memref<10240x128xf32, #tpu.memory_space<vmem_shared>>)
            tpu.yield
          }) : () -> ()
        }
        %scan3A_29 = arith.constant 50 : i32
      }
      %scan3A_23 = arith.constant 5 : i32
    } else {
    }
    %eq3A_3 = arith.constant 1 : i32
    %eq3A_4 = arith.cmpi eq, %arg0, %eq3A_3 : i32
    %convert_element_type3A_5 = arith.extui %eq3A_4 : i1 to i32
    %cond3A_6 = arith.constant 0 : i32
    %cond3A_7 = arith.cmpi ne, %convert_element_type3A_5, %cond3A_6 : i32
    scf.if %cond3A_7 {
      %scan3A = arith.constant 0 : i32
      %scan3A_19 = arith.constant 0 : i32
      %scan3A_20 = arith.constant 5 : i32
      %scan3A_21 = arith.addi %scan3A_19, %scan3A_20 : i32
      %scan3A_22 = arith.constant 1 : i32
      scf.for %scan3A_24 = %scan3A_19 to %scan3A_21 step %scan3A_22  : i32 {
        "tpu.region"() ({
          %run_scoped3A = tpu.sem_alloc : memref<!tpu.dma_semaphore, #tpu.memory_space<semaphore_mem>>
          %dma_start3A = arith.constant 0 : i32
          %dma_start3A_30 = arith.constant 0 : i32
          %dma_start3A_31 = arith.constant 0 : i32
          %dma_start3A_32 = tpu.memref_slice %arg7[%arg1, %dma_start3A, %dma_start3A_30, %dma_start3A_31] : memref<16x5x50x80xi32, #tpu.memory_space<hbm>> -> memref<1x5x50x80xi32, #tpu.memory_space<hbm>>
          %dma_start3A_33 = tpu.memref_squeeze %dma_start3A_32 : memref<1x5x50x80xi32, #tpu.memory_space<hbm>> -> memref<5x50x80xi32, #tpu.memory_space<hbm>>
          %dma_start3A_34 = arith.constant 0 : i32
          %dma_start3A_35 = arith.constant 0 : i32
          %dma_start3A_36 = tpu.memref_slice %dma_start3A_33[%scan3A_24, %dma_start3A_34, %dma_start3A_35] : memref<5x50x80xi32, #tpu.memory_space<hbm>> -> memref<1x50x80xi32, #tpu.memory_space<hbm>>
          %dma_start3A_37 = tpu.memref_squeeze %dma_start3A_36 : memref<1x50x80xi32, #tpu.memory_space<hbm>> -> memref<50x80xi32, #tpu.memory_space<hbm>>
          %dma_start3A_38 = arith.constant 0 : i32
          %dma_start3A_39 = arith.constant 0 : i32
          %dma_start3A_40 = arith.constant 0 : i32
          %dma_start3A_41 = tpu.memref_slice %arg7[%arg1, %dma_start3A_38, %dma_start3A_39, %dma_start3A_40] : memref<16x5x50x80xi32, #tpu.memory_space<hbm>> -> memref<1x5x50x80xi32, #tpu.memory_space<hbm>>
          %dma_start3A_42 = tpu.memref_squeeze %dma_start3A_41 : memref<1x5x50x80xi32, #tpu.memory_space<hbm>> -> memref<5x50x80xi32, #tpu.memory_space<hbm>>
          %dma_start3A_43 = arith.constant 0 : i32
          %dma_start3A_44 = arith.constant 0 : i32
          %dma_start3A_45 = tpu.memref_slice %dma_start3A_42[%scan3A_24, %dma_start3A_43, %dma_start3A_44] : memref<5x50x80xi32, #tpu.memory_space<hbm>> -> memref<1x50x80xi32, #tpu.memory_space<hbm>>
          %dma_start3A_46 = tpu.memref_squeeze %dma_start3A_45 : memref<1x50x80xi32, #tpu.memory_space<hbm>> -> memref<50x80xi32, #tpu.memory_space<hbm>>
          tpu.enqueue_dma source(%dma_start3A_46 : memref<50x80xi32, #tpu.memory_space<hbm>>) target(%arg11 : memref<50x80xi32, #tpu.memory_space<vmem>>) target_semaphore(%run_scoped3A : memref<!tpu.dma_semaphore, #tpu.memory_space<semaphore_mem>>)
          %dma_wait3A = arith.constant 0 : i32
          %dma_wait3A_47 = arith.constant 0 : i32
          %dma_wait3A_48 = arith.constant 0 : i32
          %dma_wait3A_49 = tpu.memref_slice %arg7[%arg1, %dma_wait3A, %dma_wait3A_47, %dma_wait3A_48] : memref<16x5x50x80xi32, #tpu.memory_space<hbm>> -> memref<1x5x50x80xi32, #tpu.memory_space<hbm>>
          %dma_wait3A_50 = tpu.memref_squeeze %dma_wait3A_49 : memref<1x5x50x80xi32, #tpu.memory_space<hbm>> -> memref<5x50x80xi32, #tpu.memory_space<hbm>>
          %dma_wait3A_51 = arith.constant 0 : i32
          %dma_wait3A_52 = arith.constant 0 : i32
          %dma_wait3A_53 = tpu.memref_slice %dma_wait3A_50[%scan3A_24, %dma_wait3A_51, %dma_wait3A_52] : memref<5x50x80xi32, #tpu.memory_space<hbm>> -> memref<1x50x80xi32, #tpu.memory_space<hbm>>
          %dma_wait3A_54 = tpu.memref_squeeze %dma_wait3A_53 : memref<1x50x80xi32, #tpu.memory_space<hbm>> -> memref<50x80xi32, #tpu.memory_space<hbm>>
          %dma_wait3A_55 = arith.constant 0 : i32
          %dma_wait3A_56 = arith.constant 0 : i32
          %dma_wait3A_57 = arith.constant 0 : i32
          %dma_wait3A_58 = tpu.memref_slice %arg7[%arg1, %dma_wait3A_55, %dma_wait3A_56, %dma_wait3A_57] : memref<16x5x50x80xi32, #tpu.memory_space<hbm>> -> memref<1x5x50x80xi32, #tpu.memory_space<hbm>>
          %dma_wait3A_59 = tpu.memref_squeeze %dma_wait3A_58 : memref<1x5x50x80xi32, #tpu.memory_space<hbm>> -> memref<5x50x80xi32, #tpu.memory_space<hbm>>
          %dma_wait3A_60 = arith.constant 0 : i32
          %dma_wait3A_61 = arith.constant 0 : i32
          %dma_wait3A_62 = tpu.memref_slice %dma_wait3A_59[%scan3A_24, %dma_wait3A_60, %dma_wait3A_61] : memref<5x50x80xi32, #tpu.memory_space<hbm>> -> memref<1x50x80xi32, #tpu.memory_space<hbm>>
          %dma_wait3A_63 = tpu.memref_squeeze %dma_wait3A_62 : memref<1x50x80xi32, #tpu.memory_space<hbm>> -> memref<50x80xi32, #tpu.memory_space<hbm>>
          tpu.wait_dma2 semaphore(%run_scoped3A : memref<!tpu.dma_semaphore, #tpu.memory_space<semaphore_mem>>) src(%dma_wait3A_63 : memref<50x80xi32, #tpu.memory_space<hbm>>) dst(%arg11 : memref<50x80xi32, #tpu.memory_space<vmem>>)
          tpu.yield
        }) : () -> ()
        "tpu.region"() ({
          %run_scoped3A = tpu.sem_alloc : memref<!tpu.dma_semaphore, #tpu.memory_space<semaphore_mem>>
          %dma_start3A = arith.constant 0 : i32
          %dma_start3A_30 = arith.constant 0 : i32
          %dma_start3A_31 = arith.constant 0 : i32
          %dma_start3A_32 = tpu.memref_slice %arg8[%arg1, %dma_start3A, %dma_start3A_30, %dma_start3A_31] : memref<16x5x50x80xi32, #tpu.memory_space<hbm>> -> memref<1x5x50x80xi32, #tpu.memory_space<hbm>>
          %dma_start3A_33 = tpu.memref_squeeze %dma_start3A_32 : memref<1x5x50x80xi32, #tpu.memory_space<hbm>> -> memref<5x50x80xi32, #tpu.memory_space<hbm>>
          %dma_start3A_34 = arith.constant 0 : i32
          %dma_start3A_35 = arith.constant 0 : i32
          %dma_start3A_36 = tpu.memref_slice %dma_start3A_33[%scan3A_24, %dma_start3A_34, %dma_start3A_35] : memref<5x50x80xi32, #tpu.memory_space<hbm>> -> memref<1x50x80xi32, #tpu.memory_space<hbm>>
          %dma_start3A_37 = tpu.memref_squeeze %dma_start3A_36 : memref<1x50x80xi32, #tpu.memory_space<hbm>> -> memref<50x80xi32, #tpu.memory_space<hbm>>
          %dma_start3A_38 = arith.constant 0 : i32
          %dma_start3A_39 = arith.constant 0 : i32
          %dma_start3A_40 = arith.constant 0 : i32
          %dma_start3A_41 = tpu.memref_slice %arg8[%arg1, %dma_start3A_38, %dma_start3A_39, %dma_start3A_40] : memref<16x5x50x80xi32, #tpu.memory_space<hbm>> -> memref<1x5x50x80xi32, #tpu.memory_space<hbm>>
          %dma_start3A_42 = tpu.memref_squeeze %dma_start3A_41 : memref<1x5x50x80xi32, #tpu.memory_space<hbm>> -> memref<5x50x80xi32, #tpu.memory_space<hbm>>
          %dma_start3A_43 = arith.constant 0 : i32
          %dma_start3A_44 = arith.constant 0 : i32
          %dma_start3A_45 = tpu.memref_slice %dma_start3A_42[%scan3A_24, %dma_start3A_43, %dma_start3A_44] : memref<5x50x80xi32, #tpu.memory_space<hbm>> -> memref<1x50x80xi32, #tpu.memory_space<hbm>>
          %dma_start3A_46 = tpu.memref_squeeze %dma_start3A_45 : memref<1x50x80xi32, #tpu.memory_space<hbm>> -> memref<50x80xi32, #tpu.memory_space<hbm>>
          tpu.enqueue_dma source(%dma_start3A_46 : memref<50x80xi32, #tpu.memory_space<hbm>>) target(%arg12 : memref<50x80xi32, #tpu.memory_space<vmem>>) target_semaphore(%run_scoped3A : memref<!tpu.dma_semaphore, #tpu.memory_space<semaphore_mem>>)
          %dma_wait3A = arith.constant 0 : i32
          %dma_wait3A_47 = arith.constant 0 : i32
          %dma_wait3A_48 = arith.constant 0 : i32
          %dma_wait3A_49 = tpu.memref_slice %arg8[%arg1, %dma_wait3A, %dma_wait3A_47, %dma_wait3A_48] : memref<16x5x50x80xi32, #tpu.memory_space<hbm>> -> memref<1x5x50x80xi32, #tpu.memory_space<hbm>>
          %dma_wait3A_50 = tpu.memref_squeeze %dma_wait3A_49 : memref<1x5x50x80xi32, #tpu.memory_space<hbm>> -> memref<5x50x80xi32, #tpu.memory_space<hbm>>
          %dma_wait3A_51 = arith.constant 0 : i32
          %dma_wait3A_52 = arith.constant 0 : i32
          %dma_wait3A_53 = tpu.memref_slice %dma_wait3A_50[%scan3A_24, %dma_wait3A_51, %dma_wait3A_52] : memref<5x50x80xi32, #tpu.memory_space<hbm>> -> memref<1x50x80xi32, #tpu.memory_space<hbm>>
          %dma_wait3A_54 = tpu.memref_squeeze %dma_wait3A_53 : memref<1x50x80xi32, #tpu.memory_space<hbm>> -> memref<50x80xi32, #tpu.memory_space<hbm>>
          %dma_wait3A_55 = arith.constant 0 : i32
          %dma_wait3A_56 = arith.constant 0 : i32
          %dma_wait3A_57 = arith.constant 0 : i32
          %dma_wait3A_58 = tpu.memref_slice %arg8[%arg1, %dma_wait3A_55, %dma_wait3A_56, %dma_wait3A_57] : memref<16x5x50x80xi32, #tpu.memory_space<hbm>> -> memref<1x5x50x80xi32, #tpu.memory_space<hbm>>
          %dma_wait3A_59 = tpu.memref_squeeze %dma_wait3A_58 : memref<1x5x50x80xi32, #tpu.memory_space<hbm>> -> memref<5x50x80xi32, #tpu.memory_space<hbm>>
          %dma_wait3A_60 = arith.constant 0 : i32
          %dma_wait3A_61 = arith.constant 0 : i32
          %dma_wait3A_62 = tpu.memref_slice %dma_wait3A_59[%scan3A_24, %dma_wait3A_60, %dma_wait3A_61] : memref<5x50x80xi32, #tpu.memory_space<hbm>> -> memref<1x50x80xi32, #tpu.memory_space<hbm>>
          %dma_wait3A_63 = tpu.memref_squeeze %dma_wait3A_62 : memref<1x50x80xi32, #tpu.memory_space<hbm>> -> memref<50x80xi32, #tpu.memory_space<hbm>>
          tpu.wait_dma2 semaphore(%run_scoped3A : memref<!tpu.dma_semaphore, #tpu.memory_space<semaphore_mem>>) src(%dma_wait3A_63 : memref<50x80xi32, #tpu.memory_space<hbm>>) dst(%arg12 : memref<50x80xi32, #tpu.memory_space<vmem>>)
          tpu.yield
        }) : () -> ()
        %scan3A_25 = arith.constant 0 : i32
        %scan3A_26 = arith.constant 50 : i32
        %scan3A_27 = arith.addi %scan3A_25, %scan3A_26 : i32
        %scan3A_28 = arith.constant 1 : i32
        scf.for %scan3A_30 = %scan3A_25 to %scan3A_27 step %scan3A_28  : i32 {
          %dma_start3A = arith.constant 0 : i32
          %dma_start3A_31 = tpu.memref_slice %arg11[%scan3A_30, %dma_start3A] : memref<50x80xi32, #tpu.memory_space<vmem>> -> memref<1x80xi32, #tpu.memory_space<vmem>>
          %dma_start3A_32 = tpu.memref_squeeze %dma_start3A_31 : memref<1x80xi32, #tpu.memory_space<vmem>> -> memref<80xi32, #tpu.memory_space<vmem>>
          %dma_start3A_33 = arith.constant 0 : i32
          %dma_start3A_34 = arith.constant 0 : i32
          %dma_start3A_35 = tpu.memref_slice %arg3[%dma_start3A_33, %dma_start3A_34] : memref<10000x128xf32, #tpu.memory_space<hbm>> -> memref<10000x128xf32, #tpu.memory_space<hbm>>
          tpu.enqueue_indirect_dma source(%dma_start3A_35 : memref<10000x128xf32, #tpu.memory_space<hbm>>) target(%arg13 : memref<80x128xf32, #tpu.memory_space<vmem>>) offsets(%dma_start3A_32 : memref<80xi32, #tpu.memory_space<vmem>>) semaphore(%arg15 : memref<!tpu.dma_semaphore, #tpu.memory_space<semaphore_mem>>)
          %dma_wait3A = arith.constant 0 : i32
          %dma_wait3A_36 = tpu.memref_slice %arg11[%scan3A_30, %dma_wait3A] : memref<50x80xi32, #tpu.memory_space<vmem>> -> memref<1x80xi32, #tpu.memory_space<vmem>>
          %dma_wait3A_37 = tpu.memref_squeeze %dma_wait3A_36 : memref<1x80xi32, #tpu.memory_space<vmem>> -> memref<80xi32, #tpu.memory_space<vmem>>
          %dma_wait3A_38 = arith.constant 0 : i32
          %dma_wait3A_39 = arith.constant 0 : i32
          %dma_wait3A_40 = tpu.memref_slice %arg3[%dma_wait3A_38, %dma_wait3A_39] : memref<10000x128xf32, #tpu.memory_space<hbm>> -> memref<10000x128xf32, #tpu.memory_space<hbm>>
          tpu.wait_indirect_dma semaphore(%arg15 : memref<!tpu.dma_semaphore, #tpu.memory_space<semaphore_mem>>) src(%dma_wait3A_40 : memref<10000x128xf32, #tpu.memory_space<hbm>>) dst(%arg13 : memref<80x128xf32, #tpu.memory_space<vmem>>)
          "tpu.region"() ({
            %run_scoped3A = tpu.sem_alloc : memref<!tpu.dma_semaphore, #tpu.memory_space<semaphore_mem>>
            %dma_start3A_41 = arith.constant 0 : i32
            %dma_start3A_42 = tpu.memref_slice %arg12[%scan3A_30, %dma_start3A_41] : memref<50x80xi32, #tpu.memory_space<vmem>> -> memref<1x80xi32, #tpu.memory_space<vmem>>
            %dma_start3A_43 = tpu.memref_squeeze %dma_start3A_42 : memref<1x80xi32, #tpu.memory_space<vmem>> -> memref<80xi32, #tpu.memory_space<vmem>>
            %dma_start3A_44 = arith.constant 0 : i32
            %dma_start3A_45 = arith.constant 0 : i32
            %dma_start3A_46 = tpu.memref_slice %arg14[%dma_start3A_44, %dma_start3A_45] : memref<10240x128xf32, #tpu.memory_space<vmem_shared>> -> memref<10240x128xf32, #tpu.memory_space<vmem_shared>>
            tpu.enqueue_indirect_dma source(%arg13 : memref<80x128xf32, #tpu.memory_space<vmem>>) target(%dma_start3A_46 : memref<10240x128xf32, #tpu.memory_space<vmem_shared>>) offsets(%dma_start3A_43 : memref<80xi32, #tpu.memory_space<vmem>>) semaphore(%run_scoped3A : memref<!tpu.dma_semaphore, #tpu.memory_space<semaphore_mem>>) {add = true}
            %dma_wait3A_47 = arith.constant 0 : i32
            %dma_wait3A_48 = tpu.memref_slice %arg12[%scan3A_30, %dma_wait3A_47] : memref<50x80xi32, #tpu.memory_space<vmem>> -> memref<1x80xi32, #tpu.memory_space<vmem>>
            %dma_wait3A_49 = tpu.memref_squeeze %dma_wait3A_48 : memref<1x80xi32, #tpu.memory_space<vmem>> -> memref<80xi32, #tpu.memory_space<vmem>>
            %dma_wait3A_50 = arith.constant 0 : i32
            %dma_wait3A_51 = arith.constant 0 : i32
            %dma_wait3A_52 = tpu.memref_slice %arg14[%dma_wait3A_50, %dma_wait3A_51] : memref<10240x128xf32, #tpu.memory_space<vmem_shared>> -> memref<10240x128xf32, #tpu.memory_space<vmem_shared>>
            tpu.wait_indirect_dma semaphore(%run_scoped3A : memref<!tpu.dma_semaphore, #tpu.memory_space<semaphore_mem>>) src(%arg13 : memref<80x128xf32, #tpu.memory_space<vmem>>) dst(%dma_wait3A_52 : memref<10240x128xf32, #tpu.memory_space<vmem_shared>>)
            tpu.yield
          }) : () -> ()
        }
        %scan3A_29 = arith.constant 50 : i32
      }
      %scan3A_23 = arith.constant 5 : i32
    } else {
    }
    %barrier3A_8 = arith.constant 0 : index
    tpu.barrier barrier_id(%barrier3A_8)
    %eq3A_9 = arith.constant 0 : i32
    %eq3A_10 = arith.cmpi eq, %arg0, %eq3A_9 : i32
    %convert_element_type3A_11 = arith.extui %eq3A_10 : i1 to i32
    %cond3A_12 = arith.constant 0 : i32
    %cond3A_13 = arith.cmpi ne, %convert_element_type3A_11, %cond3A_12 : i32
    scf.if %cond3A_13 {
      "tpu.region"() ({
        %run_scoped3A = tpu.sem_alloc : memref<!tpu.dma_semaphore, #tpu.memory_space<semaphore_mem>>
        %dma_start3A = arith.constant 0 : i32
        %dma_start3A_19 = tpu.memref_slice %arg9[%multiple_of3A, %dma_start3A] : memref<10240x128xf32, #tpu.memory_space<hbm>> -> memref<640x128xf32, #tpu.memory_space<hbm>>
        %dma_start3A_20 = arith.constant 0 : i32
        %dma_start3A_21 = tpu.memref_slice %arg14[%multiple_of3A, %dma_start3A_20] : memref<10240x128xf32, #tpu.memory_space<vmem_shared>> -> memref<640x128xf32, #tpu.memory_space<vmem_shared>>
        tpu.enqueue_dma source(%dma_start3A_21 : memref<640x128xf32, #tpu.memory_space<vmem_shared>>) target(%dma_start3A_19 : memref<640x128xf32, #tpu.memory_space<hbm>>) target_semaphore(%run_scoped3A : memref<!tpu.dma_semaphore, #tpu.memory_space<semaphore_mem>>)
        %dma_wait3A = arith.constant 0 : i32
        %dma_wait3A_22 = tpu.memref_slice %arg9[%multiple_of3A, %dma_wait3A] : memref<10240x128xf32, #tpu.memory_space<hbm>> -> memref<640x128xf32, #tpu.memory_space<hbm>>
        %dma_wait3A_23 = arith.constant 0 : i32
        %dma_wait3A_24 = tpu.memref_slice %arg14[%multiple_of3A, %dma_wait3A_23] : memref<10240x128xf32, #tpu.memory_space<vmem_shared>> -> memref<640x128xf32, #tpu.memory_space<vmem_shared>>
        tpu.wait_dma2 semaphore(%run_scoped3A : memref<!tpu.dma_semaphore, #tpu.memory_space<semaphore_mem>>) src(%dma_wait3A_24 : memref<640x128xf32, #tpu.memory_space<vmem_shared>>) dst(%dma_wait3A_22 : memref<640x128xf32, #tpu.memory_space<hbm>>)
        tpu.yield
      }) : () -> ()
    } else {
    }
    %eq3A_14 = arith.constant 1 : i32
    %eq3A_15 = arith.cmpi eq, %arg0, %eq3A_14 : i32
    %convert_element_type3A_16 = arith.extui %eq3A_15 : i1 to i32
    %cond3A_17 = arith.constant 0 : i32
    %cond3A_18 = arith.cmpi ne, %convert_element_type3A_16, %cond3A_17 : i32
    scf.if %cond3A_18 {
      "tpu.region"() ({
        %run_scoped3A = tpu.sem_alloc : memref<!tpu.dma_semaphore, #tpu.memory_space<semaphore_mem>>
        %dma_start3A = arith.constant 0 : i32
        %dma_start3A_19 = tpu.memref_slice %arg10[%multiple_of3A, %dma_start3A] : memref<10240x128xf32, #tpu.memory_space<hbm>> -> memref<640x128xf32, #tpu.memory_space<hbm>>
        %dma_start3A_20 = arith.constant 0 : i32
        %dma_start3A_21 = tpu.memref_slice %arg14[%multiple_of3A, %dma_start3A_20] : memref<10240x128xf32, #tpu.memory_space<vmem_shared>> -> memref<640x128xf32, #tpu.memory_space<vmem_shared>>
        tpu.enqueue_dma source(%dma_start3A_21 : memref<640x128xf32, #tpu.memory_space<vmem_shared>>) target(%dma_start3A_19 : memref<640x128xf32, #tpu.memory_space<hbm>>) target_semaphore(%run_scoped3A : memref<!tpu.dma_semaphore, #tpu.memory_space<semaphore_mem>>)
        %dma_wait3A = arith.constant 0 : i32
        %dma_wait3A_22 = tpu.memref_slice %arg10[%multiple_of3A, %dma_wait3A] : memref<10240x128xf32, #tpu.memory_space<hbm>> -> memref<640x128xf32, #tpu.memory_space<hbm>>
        %dma_wait3A_23 = arith.constant 0 : i32
        %dma_wait3A_24 = tpu.memref_slice %arg14[%multiple_of3A, %dma_wait3A_23] : memref<10240x128xf32, #tpu.memory_space<vmem_shared>> -> memref<640x128xf32, #tpu.memory_space<vmem_shared>>
        tpu.wait_dma2 semaphore(%run_scoped3A : memref<!tpu.dma_semaphore, #tpu.memory_space<semaphore_mem>>) src(%dma_wait3A_24 : memref<640x128xf32, #tpu.memory_space<vmem_shared>>) dst(%dma_wait3A_22 : memref<640x128xf32, #tpu.memory_space<hbm>>)
        tpu.yield
      }) : () -> ()
    } else {
    }
    return
  }
}

module attributes {stable_mosaic.version = 14 : i64} {
  func.func @_mm_body(%arg0: i32, %arg1: memref<400x128xf32, #tpu.memory_space<vmem>>, %arg2: memref<128x128xf32, #tpu.memory_space<vmem>>, %arg3: memref<128x128xf32, #tpu.memory_space<vmem>>, %arg4: memref<128x128xf32, #tpu.memory_space<vmem>>, %arg5: memref<1x128xf32, #tpu.memory_space<vmem>>, %arg6: memref<1x128xf32, #tpu.memory_space<vmem>>, %arg7: memref<1x128xf32, #tpu.memory_space<vmem>>, %arg8: memref<400x128xf32, #tpu.memory_space<vmem>>, %arg9: memref<400x128xf32, #tpu.memory_space<vmem>>, %arg10: memref<400x128xf32, #tpu.memory_space<vmem>>) attributes {dimension_semantics = [#tpu.dimension_semantics<arbitrary>], iteration_bounds = array<i64: 25>, scalar_prefetch = 0 : i64, scratch_operands = 0 : i64, tpu.core_type = #tpu.core_type<tc>, window_params = [{transform_indices = @transform_0, window_bounds = array<i64: 400, 128>}, {pipeline_mode = #tpu.pipeline_mode<synchronous>, transform_indices = @transform_1, window_bounds = array<i64: 128, 128>}, {pipeline_mode = #tpu.pipeline_mode<synchronous>, transform_indices = @transform_2, window_bounds = array<i64: 128, 128>}, {pipeline_mode = #tpu.pipeline_mode<synchronous>, transform_indices = @transform_3, window_bounds = array<i64: 128, 128>}, {pipeline_mode = #tpu.pipeline_mode<synchronous>, transform_indices = @transform_4, window_bounds = array<i64: 1, 128>}, {pipeline_mode = #tpu.pipeline_mode<synchronous>, transform_indices = @transform_5, window_bounds = array<i64: 1, 128>}, {pipeline_mode = #tpu.pipeline_mode<synchronous>, transform_indices = @transform_6, window_bounds = array<i64: 1, 128>}, {transform_indices = @transform_7, window_bounds = array<i64: 400, 128>}, {transform_indices = @transform_8, window_bounds = array<i64: 400, 128>}, {transform_indices = @transform_9, window_bounds = array<i64: 400, 128>}]} {
    %get3A = arith.constant 0 : index
    %get3A_0 = arith.constant 0 : index
    %get3A_1 = vector.load %arg1[%get3A, %get3A_0] : memref<400x128xf32, #tpu.memory_space<vmem>>, vector<400x128xf32>
    %get3A_2 = arith.constant 0 : index
    %get3A_3 = arith.constant 0 : index
    %get3A_4 = vector.load %arg2[%get3A_2, %get3A_3] : memref<128x128xf32, #tpu.memory_space<vmem>>, vector<128x128xf32>
    %dot_general3A = arith.constant dense<0.000000e+00> : vector<400x128xf32>
    %dot_general3A_5 = tpu.matmul %get3A_1, %get3A_4, %dot_general3A {dimension_numbers = #tpu.dot_dimension_numbers<[1], [1], [0], [0], [0, 0, 1, 0], [], []>, transpose_lhs_hint = false} : vector<400x128xf32>, vector<128x128xf32>, vector<400x128xf32> -> vector<400x128xf32>
    %get3A_6 = arith.constant 0 : index
    %get3A_7 = arith.constant 0 : index
    %get3A_8 = vector.load %arg5[%get3A_6, %get3A_7] : memref<1x128xf32, #tpu.memory_space<vmem>>, vector<1x128xf32>
    %add3A = vector.broadcast %get3A_8 : vector<1x128xf32> to vector<400x128xf32>
    %add3A_9 = arith.addf %dot_general3A_5, %add3A : vector<400x128xf32>
    %swap3A = arith.constant 0 : index
    %swap3A_10 = arith.constant 0 : index
    %swap3A_11 = vector.load %arg8[%swap3A, %swap3A_10] : memref<400x128xf32, #tpu.memory_space<vmem>>, vector<400x128xf32>
    tpu.vector_store %arg8[%swap3A, %swap3A_10], %add3A_9 {strides = array<i32>} : memref<400x128xf32, #tpu.memory_space<vmem>>, vector<400x128xf32>,
    %get3A_12 = arith.constant 0 : index
    %get3A_13 = arith.constant 0 : index
    %get3A_14 = vector.load %arg3[%get3A_12, %get3A_13] : memref<128x128xf32, #tpu.memory_space<vmem>>, vector<128x128xf32>
    %dot_general3A_15 = arith.constant dense<0.000000e+00> : vector<400x128xf32>
    %dot_general3A_16 = tpu.matmul %get3A_1, %get3A_14, %dot_general3A_15 {dimension_numbers = #tpu.dot_dimension_numbers<[1], [1], [0], [0], [0, 0, 1, 0], [], []>, transpose_lhs_hint = false} : vector<400x128xf32>, vector<128x128xf32>, vector<400x128xf32> -> vector<400x128xf32>
    %get3A_17 = arith.constant 0 : index
    %get3A_18 = arith.constant 0 : index
    %get3A_19 = vector.load %arg6[%get3A_17, %get3A_18] : memref<1x128xf32, #tpu.memory_space<vmem>>, vector<1x128xf32>
    %add3A_20 = vector.broadcast %get3A_19 : vector<1x128xf32> to vector<400x128xf32>
    %add3A_21 = arith.addf %dot_general3A_16, %add3A_20 : vector<400x128xf32>
    %swap3A_22 = arith.constant 0 : index
    %swap3A_23 = arith.constant 0 : index
    %swap3A_24 = vector.load %arg9[%swap3A_22, %swap3A_23] : memref<400x128xf32, #tpu.memory_space<vmem>>, vector<400x128xf32>
    tpu.vector_store %arg9[%swap3A_22, %swap3A_23], %add3A_21 {strides = array<i32>} : memref<400x128xf32, #tpu.memory_space<vmem>>, vector<400x128xf32>,
    %get3A_25 = arith.constant 0 : index
    %get3A_26 = arith.constant 0 : index
    %get3A_27 = vector.load %arg4[%get3A_25, %get3A_26] : memref<128x128xf32, #tpu.memory_space<vmem>>, vector<128x128xf32>
    %dot_general3A_28 = arith.constant dense<0.000000e+00> : vector<400x128xf32>
    %dot_general3A_29 = tpu.matmul %get3A_1, %get3A_27, %dot_general3A_28 {dimension_numbers = #tpu.dot_dimension_numbers<[1], [1], [0], [0], [0, 0, 1, 0], [], []>, transpose_lhs_hint = false} : vector<400x128xf32>, vector<128x128xf32>, vector<400x128xf32> -> vector<400x128xf32>
    %get3A_30 = arith.constant 0 : index
    %get3A_31 = arith.constant 0 : index
    %get3A_32 = vector.load %arg7[%get3A_30, %get3A_31] : memref<1x128xf32, #tpu.memory_space<vmem>>, vector<1x128xf32>
    %add3A_33 = vector.broadcast %get3A_32 : vector<1x128xf32> to vector<400x128xf32>
    %add3A_34 = arith.addf %dot_general3A_29, %add3A_33 : vector<400x128xf32>
    %swap3A_35 = arith.constant 0 : index
    %swap3A_36 = arith.constant 0 : index
    %swap3A_37 = vector.load %arg10[%swap3A_35, %swap3A_36] : memref<400x128xf32, #tpu.memory_space<vmem>>, vector<400x128xf32>
    tpu.vector_store %arg10[%swap3A_35, %swap3A_36], %add3A_34 {strides = array<i32>} : memref<400x128xf32, #tpu.memory_space<vmem>>, vector<400x128xf32>,
    return
  }
  func.func @transform_0(%arg0: i32) -> (i32, i32) {
    %c0_i32 = arith.constant 0 : i32
    %c0_i32_0 = arith.constant 0 : i32
    return %arg0, %c0_i32 : i32, i32
  }
  func.func @transform_1(%arg0: i32) -> (i32, i32) {
    %c0_i32 = arith.constant 0 : i32
    %c0_i32_0 = arith.constant 0 : i32
    %c0_i32_1 = arith.constant 0 : i32
    return %c0_i32, %c0_i32_0 : i32, i32
  }
  func.func @transform_2(%arg0: i32) -> (i32, i32) {
    %c0_i32 = arith.constant 0 : i32
    %c0_i32_0 = arith.constant 0 : i32
    %c0_i32_1 = arith.constant 0 : i32
    return %c0_i32, %c0_i32_0 : i32, i32
  }
  func.func @transform_3(%arg0: i32) -> (i32, i32) {
    %c0_i32 = arith.constant 0 : i32
    %c0_i32_0 = arith.constant 0 : i32
    %c0_i32_1 = arith.constant 0 : i32
    return %c0_i32, %c0_i32_0 : i32, i32
  }
  func.func @transform_4(%arg0: i32) -> (i32, i32) {
    %c0_i32 = arith.constant 0 : i32
    %c0_i32_0 = arith.constant 0 : i32
    %c0_i32_1 = arith.constant 0 : i32
    return %c0_i32, %c0_i32_0 : i32, i32
  }
  func.func @transform_5(%arg0: i32) -> (i32, i32) {
    %c0_i32 = arith.constant 0 : i32
    %c0_i32_0 = arith.constant 0 : i32
    %c0_i32_1 = arith.constant 0 : i32
    return %c0_i32, %c0_i32_0 : i32, i32
  }
  func.func @transform_6(%arg0: i32) -> (i32, i32) {
    %c0_i32 = arith.constant 0 : i32
    %c0_i32_0 = arith.constant 0 : i32
    %c0_i32_1 = arith.constant 0 : i32
    return %c0_i32, %c0_i32_0 : i32, i32
  }
  func.func @transform_7(%arg0: i32) -> (i32, i32) {
    %c0_i32 = arith.constant 0 : i32
    %c0_i32_0 = arith.constant 0 : i32
    return %arg0, %c0_i32 : i32, i32
  }
  func.func @transform_8(%arg0: i32) -> (i32, i32) {
    %c0_i32 = arith.constant 0 : i32
    %c0_i32_0 = arith.constant 0 : i32
    return %arg0, %c0_i32 : i32, i32
  }
  func.func @transform_9(%arg0: i32) -> (i32, i32) {
    %c0_i32 = arith.constant 0 : i32
    %c0_i32_0 = arith.constant 0 : i32
    return %arg0, %c0_i32 : i32, i32
  }
}

module attributes {stable_mosaic.version = 14 : i64} {
  func.func @_comb_body(%arg0: i32, %arg1: memref<400x128xf32, #tpu.memory_space<vmem>>, %arg2: memref<400x128xf32, #tpu.memory_space<vmem>>, %arg3: memref<400x128xf32, #tpu.memory_space<vmem>>, %arg4: memref<400x128xf32, #tpu.memory_space<vmem>>) attributes {dimension_semantics = [#tpu.dimension_semantics<arbitrary>], iteration_bounds = array<i64: 25>, scalar_prefetch = 0 : i64, scratch_operands = 0 : i64, tpu.core_type = #tpu.core_type<tc>, window_params = [{transform_indices = @transform_0, window_bounds = array<i64: 400, 128>}, {transform_indices = @transform_1, window_bounds = array<i64: 400, 128>}, {transform_indices = @transform_2, window_bounds = array<i64: 400, 128>}, {transform_indices = @transform_3, window_bounds = array<i64: 400, 128>}]} {
    %get3A = arith.constant 0 : index
    %get3A_0 = arith.constant 0 : index
    %get3A_1 = vector.load %arg1[%get3A, %get3A_0] : memref<400x128xf32, #tpu.memory_space<vmem>>, vector<400x128xf32>
    %get3A_2 = arith.constant 0 : index
    %get3A_3 = arith.constant 0 : index
    %get3A_4 = vector.load %arg2[%get3A_2, %get3A_3] : memref<400x128xf32, #tpu.memory_space<vmem>>, vector<400x128xf32>
    %add3A = arith.addf %get3A_1, %get3A_4 : vector<400x128xf32>
    %get3A_5 = arith.constant 0 : index
    %get3A_6 = arith.constant 0 : index
    %get3A_7 = vector.load %arg3[%get3A_5, %get3A_6] : memref<400x128xf32, #tpu.memory_space<vmem>>, vector<400x128xf32>
    %add3A_8 = arith.addf %add3A, %get3A_7 : vector<400x128xf32>
    %max3A = arith.constant 0.000000e+00 : f32
    %max3A_9 = vector.broadcast %max3A : f32 to vector<400x128xf32>
    %max3A_10 = arith.maximumf %add3A_8, %max3A_9 : vector<400x128xf32>
    %swap3A = arith.constant 0 : index
    %swap3A_11 = arith.constant 0 : index
    %swap3A_12 = vector.load %arg4[%swap3A, %swap3A_11] : memref<400x128xf32, #tpu.memory_space<vmem>>, vector<400x128xf32>
    tpu.vector_store %arg4[%swap3A, %swap3A_11], %max3A_10 {strides = array<i32>} : memref<400x128xf32, #tpu.memory_space<vmem>>, vector<400x128xf32>,
    return
  }
  func.func @transform_0(%arg0: i32) -> (i32, i32) {
    %c0_i32 = arith.constant 0 : i32
    %c0_i32_0 = arith.constant 0 : i32
    return %arg0, %c0_i32 : i32, i32
  }
  func.func @transform_1(%arg0: i32) -> (i32, i32) {
    %c0_i32 = arith.constant 0 : i32
    %c0_i32_0 = arith.constant 0 : i32
    return %arg0, %c0_i32 : i32, i32
  }
  func.func @transform_2(%arg0: i32) -> (i32, i32) {
    %c0_i32 = arith.constant 0 : i32
    %c0_i32_0 = arith.constant 0 : i32
    return %arg0, %c0_i32 : i32, i32
  }
  func.func @transform_3(%arg0: i32) -> (i32, i32) {
    %c0_i32 = arith.constant 0 : i32
    %c0_i32_0 = arith.constant 0 : i32
    return %arg0, %c0_i32 : i32, i32
  }
}

</mosaic_0001>

<sc_bundles>
// kernel: kernel.5.cloned.1.call-start
scs
__scs_entry_jumppad:
0x0: {  	(pc) =	sbr.rel $0x88, $3  }
0x1: {  	(tag) =	ssettag $0x0;
	lr =	simm.s32 $0x1  }
0x2: {  	[smem:$0x3F99] =	sst lr;
	_ =	strace $0xD0000000  }
0x3: {  	_ = 	snop  }
0x4: {  	_ = 	snop  }
0x5: {  	_ = 	snop  }
0x6: {  	_ = 	snop  }
0x7: {  	_ = 	snop  }
__scs_overlays_trampoline_lowered:
0x8: {  	[smem:$0x3FA8] =	sst s0  }
0x9: {  	[smem:$0x3FA9] =	sst s1  }
0xa: {  	[smem:$0x3FAA] =	sst s2  }
0xb: {  	[smem:$0x3FAB] =	sst s3  }
0xc: {  	[smem:$0x3FAC] =	sst s4  }
0xd: {  	[smem:$0x3FAD] =	sst s5  }
0xe: {  	[smem:$0x3FAE] =	sst s6  }
0xf: {  	[smem:$0x3FAF] =	sst s7  }
0x10: {  	[smem:$0x3FB0] =	sst s8  }
0x11: {  	[smem:$0x3FB1] =	sst s9;
	s0 =	simm.s32 @!p0 $0x0  }
0x12: {  	s1 =	sld [smem:$0x3F97];
	s0 =	simm.s32 @p0 $0x1  }
0x13: {  	[smem:$0x3FB2] =	sst s0;
	s0 =	simm.s32 @!p1 $0x0  }
0x14: {  	s2 =	sld [smem:$0x3F96];
	s0 =	simm.s32 @p1 $0x1  }
0x15: {  	[smem:$0x3FB3] =	sst s0;
	s0 =	simm.s32 @!p2 $0x0  }
0x16: {  	s3 =	sld [smem:$0x3FDB];
	s0 =	simm.s32 @p2 $0x1  }
0x17: {  	s4 =	simm.s32 $0x1BF5;
	[smem:$0x3FB5] =	sst s0  }
0x18: {  	s0 =	sld [smem:$0x3F98];
	_ =	swait.ge [sflag:s4], $0x0  }
0x19: {  	s7 =	sld [smem:$0x3F99]  }
0x1a: {  	s8 =	sadd.s32 $0xFFFFE003, lr  }
0x1b: {  	s9 =	sadd.s32 $0xFFFFFEF7, lr;
	s5 =	simm.s32 $0xFFFFFFFF;
	p2 =	slt.u32 s8, $0xFFFFF086  }
0x1c: {  	p1 =	slt.u32 s9, $0xF7A;
	s5 =	simm.s32 @!p2 $0x0  }
0x1d: {  	s5 =	simm.s32 @p1 $0x1;
	p0 =	seq.s32 s7, s2  }
0x1e: {  	s7 =	smul.u32 @!p0 $0xF7A, s2;
	p2 =	seq.s32 @!p0 s5, $0x0  }
0x1f: {  	s9 =	smul.u32 $0xF7A, s1;
	s8 =	simm.s32 @!p0 $0x1BF5;
	p2 =	por !p2, p0  }
0x20: {  	[sflag:s8] =	ssyncset.s32 @!p0 $0xFFFFF086;
	s6 =	sadd.s32 @!p0 s3, s7;
	s7 =	simm.s32 @!p0 $0x108  }
0x21: {  	s3 =	sadd.s32 s3, s9;
	s6 =	sadd.s32 @!p0 $0x88, s6;
	s7 =	simm.s32 @p2 $0x1082  }
0x22: {  	[simem:s7], [sflag:s8] =	dma.local @!p0 [hbm:s6], $0xF7A  }
0x23: {  	s9 =	sor.u32 $0xD0000000, s2;
	s6 =	simm.s32 $0x108;
	_ =	swait.ge @!p0 [sflag:s8], $0x0  }
0x24: {  	s3 =	sadd.s32 $0x88, s3;
	s6 =	simm.s32 @!p1 $0x1082;
	[sflag:s4] =	ssyncset.s32 $0xFFFFF086  }
0x25: {  	[simem:s6], [sflag:s4] =	dma.local [hbm:s3], $0xF7A  }
0x26: {  	[smem:$0x3F99] =	sst s1;
	(tag) =	ssettag s2;
	_ =	strace s9  }
0x27: {  	s1 =	sld [smem:$0x3FA9]  }
0x28: {  	s2 =	sld [smem:$0x3FAA]  }
0x29: {  	s4 =	sld [smem:$0x3FAC]  }
0x2a: {  	p0 =	seq.s32 s5, $0x0;
	s5 =	sld [smem:$0x3FAD]  }
0x2b: {  	s6 =	sld [smem:$0x3FAE]  }
0x2c: {  	s7 =	sld [smem:$0x3FAF]  }
0x2d: {  	s3 =	simm.s32 $0x108;
	s8 =	sld [smem:$0x3FB0]  }
0x2e: {  	s3 =	simm.s32 @!p0 $0x1082;
	s9 =	sld [smem:$0x3FB1]  }
0x2f: {  	lr =	sadd.s32 s0, s3;
	s0 =	sld [smem:$0x3FA8]  }
0x30: {  	s3 =	sld [smem:$0x3FAB]  }
0x31: {  	[smem:$0x3FB4] =	sst s10  }
0x32: {  	s10 =	sld [smem:$0x3FB2];
	_ =	sdelay $0x3  }
0x33: {  	p0 =	seq.s32 s10, $0x1;
	s10 =	sld [smem:$0x3FB4];
	_ =	sdelay $0x3  }
0x34: {  	[smem:$0x3FB4] =	sst s10  }
0x35: {  	s10 =	sld [smem:$0x3FB3];
	_ =	sdelay $0x3  }
0x36: {  	p1 =	seq.s32 s10, $0x1;
	s10 =	sld [smem:$0x3FB4];
	_ =	sdelay $0x3  }
0x37: {  	[smem:$0x3FB4] =	sst s10  }
0x38: {  	s10 =	sld [smem:$0x3FB5]  }
0x39: {  	_ = 	snop;
	(pc) =	sbr.ind lr, $3  }
0x3a: {  	_ = 	snop  }
0x3b: {  	_ = 	snop  }
0x3c: {  	p2 =	seq.s32 s10, $0x1;
	s10 =	sld [smem:$0x3FB4]  }
0x3d: {  	_ =	shalt  }
0x3e: {  	_ =	shalt  }
0x3f: {  	_ =	shalt  }
0x40: {  	_ =	shalt  }
0x41: {  	_ =	shalt  }
0x42: {  	_ =	shalt  }
0x43: {  	_ =	shalt  }
0x44: {  	_ =	shalt  }
0x45: {  	_ =	shalt  }
0x46: {  	_ =	shalt  }
0x47: {  	_ =	shalt  }
0x48: {  	_ =	shalt  }
0x49: {  	_ =	shalt  }
0x4a: {  	_ =	shalt  }
0x4b: {  	_ =	shalt  }
0x4c: {  	_ =	shalt  }
0x4d: {  	_ =	shalt  }
0x4e: {  	_ =	shalt  }
0x4f: {  	_ =	shalt  }
0x50: {  	_ =	shalt  }
0x51: {  	_ =	shalt  }
0x52: {  	_ =	shalt  }
0x53: {  	_ =	shalt  }
0x54: {  	_ =	shalt  }
0x55: {  	_ =	shalt  }
0x56: {  	_ =	shalt  }
0x57: {  	_ =	shalt  }
0x58: {  	_ =	shalt  }
0x59: {  	_ =	shalt  }
0x5a: {  	_ =	shalt  }
0x5b: {  	_ =	shalt  }
0x5c: {  	_ =	shalt  }
0x5d: {  	_ =	shalt  }
0x5e: {  	_ =	shalt  }
0x5f: {  	_ =	shalt  }
0x60: {  	_ =	shalt  }
0x61: {  	_ =	shalt  }
0x62: {  	_ =	shalt  }
0x63: {  	_ =	shalt  }
0x64: {  	_ =	shalt  }
0x65: {  	_ =	shalt  }
0x66: {  	_ =	shalt  }
0x67: {  	_ =	shalt  }
0x68: {  	_ =	shalt  }
0x69: {  	_ =	shalt  }
0x6a: {  	_ =	shalt  }
0x6b: {  	_ =	shalt  }
0x6c: {  	_ =	shalt  }
0x6d: {  	_ =	shalt  }
0x6e: {  	_ =	shalt  }
0x6f: {  	_ =	shalt  }
0x70: {  	_ =	shalt  }
0x71: {  	_ =	shalt  }
0x72: {  	_ =	shalt  }
0x73: {  	_ =	shalt  }
0x74: {  	_ =	shalt  }
0x75: {  	_ =	shalt  }
0x76: {  	_ =	shalt  }
0x77: {  	_ =	shalt  }
0x78: {  	_ =	shalt  }
0x79: {  	_ =	shalt  }
0x7a: {  	_ =	shalt  }
0x7b: {  	_ =	shalt  }
0x7c: {  	_ =	shalt  }
0x7d: {  	_ =	shalt  }
0x7e: {  	_ =	shalt  }
0x7f: {  	_ =	shalt  }
0x80: {  	_ =	shalt  }
0x81: {  	_ =	shalt  }
0x82: {  	_ =	shalt  }
0x83: {  	_ =	shalt  }
0x84: {  	_ =	shalt  }
0x85: {  	_ =	shalt  }
0x86: {  	_ =	shalt  }
0x87: {  	_ =	shalt  }
.Lfunc_end0:
.L_simem_size_0:
called_computation_lowered:
.L_overlay_start_0:
0x88: {  	s2 =	sld [smem:$0x3FD9]  }
0x89: {  	s3 =	sld [smem:$0x3FFE];
	_ =	sdelay $0x1  }
0x8a: {  	s1 =	srdreg.scid  }
0x8b: {  	s0 =	sand.u32 $0x1, s1  }
0x8c: {  	s17 =	sshll.u32 s0, $0xA;
	s2 =	sadd.s32 s3, s2  }
0x8d: {  	s2 =	sadd.s32 s2, s17  }
0x8e: {  	[smem:$0x3FC0] =	sst s2  }
0x8f: {  	_ = 	snop  }
0x90: {  	s2 =	sld [smem:$0x3FD0];
	(tm) =	ssettm $0x1  }
0x91: {  	s18 =	sld [smem:$0x3FFB];
	_ =	sdelay $0x3  }
0x92: {  	_ =	strace s18  }
0x93: {  	s3 =	sld [smem:$0x3FFC];
	_ =	sdelay $0x3  }
0x94: {  	_ =	strace s3  }
0x95: {  	s3 =	sld [smem:$0x3FFD];
	_ =	sdelay $0x3  }
0x96: {  	_ =	strace s3  }
0x97: {  	_ =	strace $0x8FFFFFFF  }
0x98: {  	s19 =	sld [smem:$0x3FDB];
	_ =	sdelay $0x1  }
0x99: {  	s4 =	simm.s32 $_scs_section_size  }
0x9a: {  	s5 =	simm.s32 $_size__tile_overlayer_lowered;
	s6 =	simm.s32 $_tile_overlayer_lowered  }
0x9b: {  	s22 =	simm.s32 $0x1BFF;
	s21 =	sshll.u32 s6, $0x1;
	s3 =	sadd.s32 s4, s19  }
0x9c: {  	s7 =	simm.s32 $0x0;
	s20 =	sshll.u32 s5, $0x1;
	s5 =	sadd.s32 s21, s3  }
0x9d: {  	[timem:s7], [sflag:s22] =	dma.local [hbm:s5], s20  }
0x9e: {  	_ =	swait.ge [sflag:s22], s20  }
0x9f: {  	s4 =	ssub.s32 $0x0, s20;
	[sflag:s22] =	ssyncset.done $0x0  }
0xa0: {  	[sflag:s22] =	ssyncadd.s32 s4;
	_ =	sdelay $0x1  }
0xa1: {  	s23 =	simm.s32 $0x1B8B  }
0xa2: {  	_ =	swait.ge [sflag:s23], $0x1  }
0xa3: {  	[sflag:s23] =	ssyncset.done $0x0  }
0xa4: {  	s25 =	simm.s32 $0x1B8E;
	s24 =	sld [smem:$0x3FFE];
	[sflag:s23] =	ssyncadd.s32 $0xFFFFFFFF  }
0xa5: {  	s26 =	simm.s32 $execute0_lowered;
	[smem:$0x3FD2] =	sst s25  }
0xa6: {  	s5 =	sshll.u32 s26, $0x1;
	_ =	strace $0x80000046;
	[dreg:$0x1] =	wrdreg $0xFFFFFFFF  }
0xa7: {  	s28 =	simm.s32 $_size_execute0_lowered;
	s3 =	sadd.s32 s3, s5;
	[dreg:$0x0] =	wrdreg $0x0  }
0xa8: {  	s5 =	sshll.u32 s28, $0x1;
	[dreg:$0x2] =	wrdreg s3  }
0xa9: {  	[dreg:$0x3] =	wrdreg s5  }
0xaa: {  	[dreg:$0x4] =	wrdreg $0xC0  }
0xab: {  	_ =	task [dreg:s7], $0x5FFFF  }
0xac: {  	[dreg:$0x1] =	wrdreg $0xFFFFFFFF  }
0xad: {  	[dreg:$0x0] =	wrdreg $0x60  }
0xae: {  	[dreg:$0x2] =	wrdreg s2  }
0xaf: {  	[dreg:$0x3] =	wrdreg s24  }
0xb0: {  	[dreg:$0x4] =	wrdreg $0x60000  }
0xb1: {  	[dreg:$0x5] =	wrdreg $0x9  }
0xb2: {  	_ =	task.clear_ibuf [dreg:s7], $0x6FFFF;
	_ =	strace $0x90000046  }
0xb3: {  	s29 =	simm.s32 $0x9;
	_ =	strace $0x80000048  }
0xb4: {  	_ =	swait.ge [sflag:s29], $0x1  }
0xb5: {  	[sflag:s29] =	ssyncadd.s32 $0xFFFFFFFF  }
0xb6: {  	_ =	strace $0x90000048  }
0xb7: {  	_ =	sfence  }
0xb8: {  	s30 =	sld [smem:$0x0];
	_ =	sdelay $0x2  }
0xb9: {  	s31 =	sshll.u32 s1, $0xD;
	s1 =	sshrl.u32 s1, $0x2  }
0xba: {  	s3 =	sand.u32 $0x4000, s31;
	s1 =	sadd.s32 s1, s30  }
0xbb: {  	s0 =	sor.u32 s3, s0;
	s1 =	sshll.u32 s1, $0x11  }
0xbc: {  	s0 =	sor.u32 s1, s0  }
0xbd: {  	s0 =	sadd.s32 $0x8F2B, s0  }
0xbe: {  	[sflag:s0] =	ssyncadd.remote.s32 $0x1  }
0xbf: {  	_ =	sfence.sel $0xFFFF  }
0xc0: {  	[dreg:$0x0] =	wrdreg $0xFFFFFFFF;
	(pc) =	sbr.abs _section_cstart, $3  }
0xc1: {  	[dreg:$0x1] =	wrdreg $0xFFFFFFFF  }
0xc2: {  	_ =	task.clear_ibuf [dreg:s7], $0x2FFFF;
	_ =	strace $0x9FFFFFFF  }
0xc3: {  	(tm) =	ssettm $0x7FFFFFFF  }
tec
execute0_lowered:
.L_overlay_start_1:
0x0: {  	(tag) =	ssettag $0x1  }
0x1: {  	s1 =	rddreg [dreg:$0x0]  }
0x2: {  	s8 =	rddreg [dreg:$0x1]  }
0x3: {  	s2 =	rddreg [dreg:$0x2]  }
0x4: {  	s0 =	rddreg [dreg:$0x3];
	s4 =	simm.s32 $0x0;
	s3 =	stileid.u32  }
0x5: {  	s9 =	srdreg.scid;
	s16 =	simm.s32 $0x1C00;
	s17 =	simm.s32 $0x50  }
0x6: {  	s18 =	simm.s32 $0x3800;
	s19 =	simm.s32 $0x1;
	[smem:$0x7FF] =	sst s4  }
0x7: {  	s5 =	sadd.s32 $0x24800, s8;
	s7 =	smul.u32 $0x1180, s3;
	s6 =	sadd.s32 $0x4BA00, s8  }
0x8: {  	s14 =	sand.u32 $0x1, s9;
	s30 =	smul.u32 $0x50000, s3;
	s31 =	sshll.u32 s3, $0x6  }
0x9: {  	_ =	strace $0x80000047;
	s10 =	ssub.s32 $0x2, s14;
	p0 =	seq.s32 s14, $0x0  }
.Ltmp0:
0xa: {  	s11 =	sadd.s32 s7, s8;
	s7 =	sadd.s32 $0x4E200, s8;
	(pc) =	sbr.rel .LBB2_1-.Ltmp0, $4  }
0xb: {  	s8 =	sadd.s32 $0x76200, s8;
	s12 =	sshrl.u32 s10, $0x1;
	s9 =	sshrl.u32 s30, $0x2  }
0xc: {  	s13 =	ssub.s32 s10, s12;
	s15 =	sadd.s32 s9, s2;
	s9 =	sor.u32 $0x1C02, s31  }
0xd: {  	s10 =	sadd.s32 $0x1800, s11;
	s11 =	sadd.s32 $0x13000, s11;
	s12 =	smul.u32 $0x2800, s3  }
0xe: {  	s13 =	smax.u32 s13, $0x1;
	s14 =	sshrl.u32 s15, $0x3;
	s15 =	simm.s32 $0x2  }
.LBB2_10:
0xf: {  	s4 =	sadd.s32 $0x1, s4  }
0x10: {  	p1 =	sne.s32 s4, s13  }
.Ltmp1:
0x11: {  	s20 =	sadd.s32 s20, s12;
	[bflag:$0x0] =	sbarrier.arrive $0xFFFF;
	(pc) =	sbr.rel @!p1 .LBB2_11-.Ltmp1, $4  }
0x12: {  	[hbm:s20], [sflag:s9] =	dma.local [spmem:s14], $0x2800  }
0x13: {  	_ =	swait.ge [sflag:s15], $0x2800  }
0x14: {  	[sflag:s15] =	ssyncset.done $0x0  }
0x15: {  	[sflag:s15] =	ssyncadd.s32 $0xFFFFD800  }
.LBB2_1:
0x16: {  	[spmem:s14], [sflag:s9] =	dma.local [hbm:s6], $0x2800  }
.Ltmp2:
0x17: {  	_ =	swait.ge [sflag:s15], $0x2800;
	(pc) =	sbr.rel @!p0 .LBB2_2-.Ltmp2, $4  }
0x18: {  	[sflag:s15] =	ssyncset.done $0x0  }
0x19: {  	[sflag:s15] =	ssyncadd.s32 $0xFFFFD800  }
0x1a: {  	[bflag:$0x0] =	sbarrier.arrive $0xFFFF  }
0x1b: {  	s20 =	simm.s32 $0x0;
	s21 =	simm.s32 $0x0  }
.LBB2_6:
0x1c: {  	s22 =	smul.u32 $0x380, s21;
	_ =	sdelay $0x1  }
0x1d: {  	s23 =	sadd.s32 s22, s11  }
0x1e: {  	[tilespmem:s20], [sflag:$0x2] =	stream.linear.gather [hbm4b:s23+s20], $0x1900, $0x38;
	[tilespmem:$0x1A000] =	vst v63  }
0x1f: {  	_ =	swait.ge [sflag:s15], $0x1900  }
0x20: {  	[sflag:s15] =	ssyncset.done $0x0  }
0x21: {  	s22 =	sadd.s32 s22, s10;
	[sflag:s15] =	ssyncadd.s32 $0xFFFFE700  }
0x22: {  	[tilespmem:s16], [sflag:$0x2] =	stream.linear.gather [hbm4b:s22+s20], $0x1900, $0x38;
	[tilespmem:$0x1A000] =	vst v63  }
0x23: {  	_ =	swait.ge [sflag:s15], $0x1900  }
0x24: {  	[sflag:s15] =	ssyncset.done $0x0  }
0x25: {  	s30 =	simm.s32 $0x0;
	[sflag:s15] =	ssyncadd.s32 $0xFFFFE700  }
0x26: {  	[tilespmem:s18], [sflag:$0x1] =	stream.indirect.gather [hbm4b:s1+s17], $0x80, s30, s17, $0xb8;
	[tilespmem:$0x1A000] =	vst v63  }
0x27: {  	_ =	swait.ge [sflag:s19], $0x2800  }
0x28: {  	[sflag:s19] =	ssyncset.done $0x0  }
0x29: {  	s31 =	simm.s32 $0x1C00;
	[sflag:s19] =	ssyncadd.s32 $0xFFFFD800  }
0x2a: {  	[spmem:s2] =	stream.indirect.scatter.add.f32 [tilespmem:s18], [sflag:$0x2], $0x80, s31, s17, $0xb8;
	[tilespmem:$0x1A000] =	vst v63  }
0x2b: {  	_ =	swait.ge [sflag:s15], $0x2800  }
0x2c: {  	s23 =	simm.s32 $0x400;
	s22 =	simm.s32 $0x200;
	[sflag:s15] =	ssyncset.done $0x0  }
.LBB2_7:
0x2d: {  	s24 =	sshra.s32 s22, $0x2  }
0x2e: {  	[sflag:s15] =	ssyncadd.s32 $0xFFFFD800;
	s22 =	smov.u32 s23;
	s25 =	sadd.s32 $0x200, s23  }
0x2f: {  	[tilespmem:s18], [sflag:$0x1] =	stream.indirect.gather [hbm4b:s1+s17], $0x80, s24, s17, $0xb8;
	[tilespmem:$0x1A000] =	vst v63  }
0x30: {  	p1 =	sne.s32 s23, $0x6200;
	_ =	swait.ge [sflag:s19], $0x2800  }
.Ltmp3:
0x31: {  	[sflag:s19] =	ssyncset.done $0x0;
	(pc) =	sbr.rel @p1 .LBB2_7-.Ltmp3, $4  }
0x32: {  	s23 =	sadd.s32 $0x1C00, s24;
	[sflag:s19] =	ssyncadd.s32 $0xFFFFD800  }
0x33: {  	[spmem:s2] =	stream.indirect.scatter.add.f32 [tilespmem:s18], [sflag:$0x2], $0x80, s23, s17, $0xb8;
	[tilespmem:$0x1A000] =	vst v63  }
0x34: {  	_ =	swait.ge [sflag:s15], $0x2800  }
0x35: {  	s23 =	smov.u32 s25;
	[sflag:s15] =	ssyncset.done $0x0  }
0x36: {  	s22 =	sshra.s32 s22, $0x2;
	[sflag:s15] =	ssyncadd.s32 $0xFFFFD800  }
0x37: {  	[tilespmem:s18], [sflag:$0x1] =	stream.indirect.gather [hbm4b:s1+s17], $0x80, s22, s17, $0xb8;
	[tilespmem:$0x1A000] =	vst v63  }
0x38: {  	s21 =	sadd.s32 $0x1, s21;
	_ =	swait.ge [sflag:s19], $0x2800  }
0x39: {  	p1 =	seq.s32 s21, $0x5;
	[sflag:s19] =	ssyncset.done $0x0  }
.Ltmp4:
0x3a: {  	s22 =	sadd.s32 $0x1C00, s22;
	[sflag:s19] =	ssyncadd.s32 $0xFFFFD800;
	(pc) =	sbr.rel @!p1 .LBB2_6-.Ltmp4, $4  }
0x3b: {  	[spmem:s2] =	stream.indirect.scatter.add.f32 [tilespmem:s18], [sflag:$0x2], $0x80, s22, s17, $0xb8;
	[tilespmem:$0x1A000] =	vst v63  }
0x3c: {  	_ =	swait.ge [sflag:s15], $0x2800  }
0x3d: {  	[sflag:s15] =	ssyncset.done $0x0  }
0x3e: {  	[sflag:s15] =	ssyncadd.s32 $0xFFFFD800  }
.Ltmp5:
0x3f: {  	(pc) =	sbr.rel .LBB2_10-.Ltmp5, $2  }
0x40: {  	_ =	sdelay $0x2  }
0x41: {  	s20 =	smov.u32 s7  }
.LBB2_2:
0x42: {  	s22 =	smul.u32 $0x380, s21;
	_ =	sdelay $0x1  }
0x43: {  	s23 =	sadd.s32 s22, s10  }
0x44: {  	[tilespmem:s20], [sflag:$0x2] =	stream.linear.gather [hbm4b:s23+s20], $0x1900, $0x38;
	[tilespmem:$0x1A000] =	vst v63  }
0x45: {  	_ =	swait.ge [sflag:s15], $0x1900  }
0x46: {  	[sflag:s15] =	ssyncset.done $0x0  }
0x47: {  	s22 =	sadd.s32 s22, s11;
	[sflag:s15] =	ssyncadd.s32 $0xFFFFE700  }
0x48: {  	[tilespmem:s16], [sflag:$0x2] =	stream.linear.gather [hbm4b:s22+s20], $0x1900, $0x38;
	[tilespmem:$0x1A000] =	vst v63  }
0x49: {  	_ =	swait.ge [sflag:s15], $0x1900  }
0x4a: {  	[sflag:s15] =	ssyncset.done $0x0  }
0x4b: {  	s30 =	simm.s32 $0x0;
	[sflag:s15] =	ssyncadd.s32 $0xFFFFE700  }
0x4c: {  	[tilespmem:s18], [sflag:$0x1] =	stream.indirect.gather [hbm4b:s5+s17], $0x80, s30, s17, $0xb8;
	[tilespmem:$0x1A000] =	vst v63  }
0x4d: {  	_ =	swait.ge [sflag:s19], $0x2800  }
0x4e: {  	[sflag:s19] =	ssyncset.done $0x0  }
0x4f: {  	s31 =	simm.s32 $0x1C00;
	[sflag:s19] =	ssyncadd.s32 $0xFFFFD800  }
0x50: {  	[spmem:s2] =	stream.indirect.scatter.add.f32 [tilespmem:s18], [sflag:$0x2], $0x80, s31, s17, $0xb8;
	[tilespmem:$0x1A000] =	vst v63  }
0x51: {  	_ =	swait.ge [sflag:s15], $0x2800  }
0x52: {  	s23 =	simm.s32 $0x400;
	s22 =	simm.s32 $0x200;
	[sflag:s15] =	ssyncset.done $0x0  }
.LBB2_3:
0x53: {  	s24 =	sshra.s32 s22, $0x2  }
0x54: {  	[sflag:s15] =	ssyncadd.s32 $0xFFFFD800;
	s22 =	smov.u32 s23;
	s25 =	sadd.s32 $0x200, s23  }
0x55: {  	[tilespmem:s18], [sflag:$0x1] =	stream.indirect.gather [hbm4b:s5+s17], $0x80, s24, s17, $0xb8;
	[tilespmem:$0x1A000] =	vst v63  }
0x56: {  	p1 =	sne.s32 s23, $0x6200;
	_ =	swait.ge [sflag:s19], $0x2800  }
.Ltmp6:
0x57: {  	[sflag:s19] =	ssyncset.done $0x0;
	(pc) =	sbr.rel @p1 .LBB2_3-.Ltmp6, $4  }
0x58: {  	s23 =	sadd.s32 $0x1C00, s24;
	[sflag:s19] =	ssyncadd.s32 $0xFFFFD800  }
0x59: {  	[spmem:s2] =	stream.indirect.scatter.add.f32 [tilespmem:s18], [sflag:$0x2], $0x80, s23, s17, $0xb8;
	[tilespmem:$0x1A000] =	vst v63  }
0x5a: {  	_ =	swait.ge [sflag:s15], $0x2800  }
0x5b: {  	s23 =	smov.u32 s25;
	[sflag:s15] =	ssyncset.done $0x0  }
0x5c: {  	s22 =	sshra.s32 s22, $0x2;
	[sflag:s15] =	ssyncadd.s32 $0xFFFFD800  }
0x5d: {  	[tilespmem:s18], [sflag:$0x1] =	stream.indirect.gather [hbm4b:s5+s17], $0x80, s22, s17, $0xb8;
	[tilespmem:$0x1A000] =	vst v63  }
0x5e: {  	s21 =	sadd.s32 $0x1, s21;
	_ =	swait.ge [sflag:s19], $0x2800  }
0x5f: {  	p1 =	sne.s32 s21, $0x5;
	[sflag:s19] =	ssyncset.done $0x0  }
.Ltmp7:
0x60: {  	s22 =	sadd.s32 $0x1C00, s22;
	[sflag:s19] =	ssyncadd.s32 $0xFFFFD800;
	(pc) =	sbr.rel @p1 .LBB2_2-.Ltmp7, $4  }
0x61: {  	[spmem:s2] =	stream.indirect.scatter.add.f32 [tilespmem:s18], [sflag:$0x2], $0x80, s22, s17, $0xb8;
	[tilespmem:$0x1A000] =	vst v63  }
0x62: {  	_ =	swait.ge [sflag:s15], $0x2800  }
0x63: {  	[sflag:s15] =	ssyncset.done $0x0  }
0x64: {  	[sflag:s15] =	ssyncadd.s32 $0xFFFFD800  }
.Ltmp8:
0x65: {  	(pc) =	sbr.rel .LBB2_10-.Ltmp8, $2  }
0x66: {  	_ =	sdelay $0x2  }
0x67: {  	s20 =	smov.u32 s8  }
.LBB2_11:
0x68: {  	_ =	sfence.sel $0x180000  }
0x69: {  	[bflag:$0x0] =	sbarrier.arrive $0xFFFF  }
0x6a: {  	p0 =	sne.s32 s3, $0x0;
	_ =	strace $0x90000047  }
0x6b: {  	s0 =	sadd.s32 @!p0 $0x100000, s0;
	[bflag:$0x2] =	sbarrier.arrive $0xFFFF  }
0x6c: {  	[sflag:s0] =	ssyncadd.tile.s32 @!p0 $0x1;
	_ =	shalt  }
.Lfunc_end2:
_tile_overlayer_lowered:
.L_overlay_start_2:
0x6d: {  	(tag) =	ssettag $0x2  }
0x6e: {  	s0 =	rddreg [dreg:$0x0];
	s2 =	stileid.u32  }
0x6f: {  	s1 =	rddreg [dreg:$0x1];
	p0 =	sne.s32 s2, $0x0  }
0x70: {  	s3 =	rddreg [dreg:$0x2];
	[bflag:$0x3] =	sbarrier.arrive $0xFFFF;
	s2 =	simm.s32 @!p0 $0x1C02  }
0x71: {  	[timem:s3], [sflag:s2] =	dma.local @!p0 [hbm:s0], s1  }
0x72: {  	s0 =	simm.s32 @!p0 $0x2  }
0x73: {  	_ =	swait.ge @!p0 [sflag:s0], s1  }
0x74: {  	s1 =	ssub.s32 @!p0 $0x0, s1;
	[sflag:s0] =	ssyncset.done @!p0 $0x0  }
0x75: {  	[sflag:s0] =	ssyncadd.s32 @!p0 s1  }
0x76: {  	[bflag:$0x3] =	sbarrier.arrive $0xFFFF  }
0x77: {  	_ =	shalt  }

</sc_bundles>
